<compile_context>
chip_gen: v7x
topology: tpu7x:2x2x1
jax: 0.10.2.dev20260603
libtpu: 0.0.44.dev20260713+nightly
codegen_flags: <defaults>
</compile_context>

<pallas_src>
import functools

import jax
import jax.numpy as jnp
from jax import lax
from jax.experimental import pallas as pl
from jax.experimental.pallas import tpu as pltpu
from jax.experimental.pallas import tpu_sc as plsc

_NC = 2
_NS = 16
_NW = _NC * _NS

_CHUNK = 128
_K = 4


def _combine_body(tok_ref, pos_ref, out_ref):
    out_ref[...] = tok_ref[...] + pos_ref[...]


def _make_sc_gather(n_tokens: int, n_rows: int, depth: int):
    tok_per_w = n_tokens // _NW
    n_groups = tok_per_w // _CHUNK
    iters = n_groups // _K
    rows_per_chunk = _K * _CHUNK
    mesh = plsc.VectorSubcoreMesh(
        core_axis_name="c", subcore_axis_name="s",
        num_cores=_NC, num_subcores=_NS,
    )

    @functools.partial(
        pl.kernel,
        out_type=jax.ShapeDtypeStruct((n_tokens, depth), jnp.float32),
        mesh=mesh,
        scratch_types=[
            pltpu.VMEM((n_groups, _CHUNK), jnp.int32),
            pltpu.VMEM((2, rows_per_chunk, depth), jnp.float32),
            pltpu.VMEM_SHARED((n_rows, depth), jnp.float32),
            pltpu.SemaphoreType.DMA,
            pltpu.SemaphoreType.DMA,
        ],
        compiler_params=pltpu.CompilerParams(use_tc_tiling_on_sc=False),
    )
    def sc_gather(idx_hbm, comb_hbm, out_hbm, idx_v, rows_v, comb_sh, gsem, ssem):
        sid = lax.axis_index("s")
        wid = sid * _NC + lax.axis_index("c")

        @pl.when(sid == 0)
        def _():
            pltpu.sync_copy(comb_hbm, comb_sh)

        pltpu.sync_copy(idx_hbm.at[wid], idx_v)
        plsc.subcore_barrier()

        def fire(chunk, buf):
            for j in range(_K):
                pltpu.async_copy(
                    comb_sh.at[idx_v.at[chunk * _K + j]],
                    rows_v.at[buf].at[pl.ds(j * _CHUNK, _CHUNK)],
                    gsem,
                )

        def drain(chunk, buf):
            for j in range(_K):
                pltpu.make_async_copy(
                    comb_sh.at[idx_v.at[chunk * _K + j]],
                    rows_v.at[buf].at[pl.ds(j * _CHUNK, _CHUNK)],
                    gsem,
                ).wait()

        def store_copy(chunk, buf):
            base = wid * tok_per_w + chunk * rows_per_chunk
            return pltpu.make_async_copy(
                rows_v.at[buf], out_hbm.at[pl.ds(base, rows_per_chunk)], ssem)

        fire(0, 0)

        def body(i, carry):
            cur = lax.rem(i, 2)
            nxt = 1 - cur

            @pl.when(i >= 1)
            def _():
                store_copy(i - 1, nxt).wait()

            @pl.when(i + 1 < iters)
            def _():
                fire(i + 1, nxt)

            drain(i, cur)
            store_copy(i, cur).start()
            return carry

        lax.fori_loop(0, iters, body, 0)
        store_copy(iters - 1, lax.rem(iters - 1, 2)).wait()

    return sc_gather


def kernel(x, tok_table, pos_table):
    max_seq, depth = pos_table.shape
    combined = pl.pallas_call(
        _combine_body,
        out_shape=jax.ShapeDtypeStruct((max_seq, depth), jnp.float32),
    )(tok_table[:max_seq], pos_table)

    n_tokens = x.size
    idx = x.reshape(_NW, (n_tokens // _NW) // _CHUNK, _CHUNK).astype(jnp.int32)
    out = _make_sc_gather(n_tokens, max_seq, depth)(idx, combined)
    return out.reshape(x.shape + (depth,))

# --- scband reference (transcript-rebuilt; emitter-appended) ---
"""Pipeline reference for scband-tok-and-pos-embedding-57896159150368 (READ-ONLY COPY).

The authoritative reference and input builder live on the scoring server;
editing this copy changes nothing except your own understanding.
"""

import jax, jax.numpy as jnp
import numpy as np

VOCAB_SIZE = 100000
EMBED_DIM = 64
MAX_SEQ_LEN = 200
BATCH = 4096
SEQ = 200


def setup_inputs(seed: int = 0) -> dict:
    key = jax.random.key(seed)
    k_x, k_tok, k_pos = jax.random.split(key, 3)
    # NOTE: the original keras module indexes BOTH tables with the token ids x
    # (pos_embeds = self.pos_emb(x)), so indices must be < min(vocab, max_seq_len).
    x = jax.random.randint(k_x, (BATCH, SEQ), 0, MAX_SEQ_LEN, dtype=jnp.int64)
    tok_table = jax.random.normal(k_tok, (VOCAB_SIZE, EMBED_DIM), dtype=jnp.float32) * 0.02
    pos_table = jax.random.normal(k_pos, (MAX_SEQ_LEN, EMBED_DIM), dtype=jnp.float32) * 0.02
    return {"x": x, "tok_table": tok_table, "pos_table": pos_table}


def reference(x, tok_table, pos_table):
    # Faithful translation of TokAndPosEmbedding.call:
    #   token_embeds = token_emb(x)
    #   pos_embeds   = pos_emb(x)   # <-- original code indexes pos table with x, not positions
    #   return token_embeds + pos_embeds
    token_embeds = jnp.take(tok_table, x, axis=0)
    pos_embeds = jnp.take(pos_table, x, axis=0)
    return token_embeds + pos_embeds

if __name__ == "__main__":
    import jax
    _d = setup_inputs()
    print(jax.jit(kernel)(*tuple(_d.values())))

</pallas_src>

<mosaic_0001>
#map = affine_map<(d0, d1) -> (0, 0, 0)>
#map1 = affine_map<(d0, d1) -> (0, 0)>
module attributes {stable_mosaic.version = 14 : i64} {
  func.func @sc_gather(%arg0: i32, %arg1: i32, %arg2: memref<32x200x128xi32, #tpu.memory_space<hbm>>, %arg3: memref<200x64xf32, #tpu.memory_space<hbm>>, %arg4: memref<819200x64xf32, #tpu.memory_space<hbm>>, %arg5: memref<200x128xi32, #tpu.memory_space<vmem>>, %arg6: memref<2x512x64xf32, #tpu.memory_space<vmem>>, %arg7: memref<200x64xf32, #tpu.memory_space<vmem_shared>>, %arg8: memref<!tpu.dma_semaphore, #tpu.memory_space<semaphore_mem>>, %arg9: memref<!tpu.dma_semaphore, #tpu.memory_space<semaphore_mem>>) attributes {dimension_semantics = [#tpu.dimension_semantics<core_parallel>, #tpu.dimension_semantics<subcore_parallel>], iteration_bounds = array<i64: 2, 16>, scalar_prefetch = 0 : i64, scratch_operands = 5 : i64, tpu.core_type = #tpu.core_type<sc_vector_subcore>, window_params = [{transform_indices = #map}, {transform_indices = #map1}, {transform_indices = #map1}]} {
    %mul3A = arith.constant 2 : i32
    %mul3A_0 = arith.muli %arg1, %mul3A : i32
    %add3A = arith.addi %mul3A_0, %arg0 : i32
    %eq3A = arith.constant 0 : i32
    %eq3A_1 = arith.cmpi eq, %arg1, %eq3A : i32
    %convert_element_type3A = arith.extui %eq3A_1 : i1 to i32
    %cond3A = arith.constant 0 : i32
    %cond3A_2 = arith.cmpi ne, %convert_element_type3A, %cond3A : i32
    scf.if %cond3A_2 {
      "tpu.region"() ({
        %run_scoped3A = tpu.sem_alloc : memref<!tpu.dma_semaphore, #tpu.memory_space<semaphore_mem>>
        tpu.enqueue_dma source(%arg3 : memref<200x64xf32, #tpu.memory_space<hbm>>) target(%arg7 : memref<200x64xf32, #tpu.memory_space<vmem_shared>>) target_semaphore(%run_scoped3A : memref<!tpu.dma_semaphore, #tpu.memory_space<semaphore_mem>>)
        tpu.wait_dma2 semaphore(%run_scoped3A : memref<!tpu.dma_semaphore, #tpu.memory_space<semaphore_mem>>) src(%arg3 : memref<200x64xf32, #tpu.memory_space<hbm>>) dst(%arg7 : memref<200x64xf32, #tpu.memory_space<vmem_shared>>)
        tpu.yield
      }) : () -> ()
    } else {
    }
    "tpu.region"() ({
      %run_scoped3A = tpu.sem_alloc : memref<!tpu.dma_semaphore, #tpu.memory_space<semaphore_mem>>
      %dma_start3A_84 = arith.constant 0 : i32
      %dma_start3A_85 = arith.constant 0 : i32
      %dma_start3A_86 = tpu.memref_slice %arg2[%add3A, %dma_start3A_84, %dma_start3A_85] : memref<32x200x128xi32, #tpu.memory_space<hbm>> -> memref<1x200x128xi32, #tpu.memory_space<hbm>>
      %dma_start3A_87 = tpu.memref_squeeze %dma_start3A_86 : memref<1x200x128xi32, #tpu.memory_space<hbm>> -> memref<200x128xi32, #tpu.memory_space<hbm>>
      %dma_start3A_88 = arith.constant 0 : i32
      %dma_start3A_89 = arith.constant 0 : i32
      %dma_start3A_90 = tpu.memref_slice %arg2[%add3A, %dma_start3A_88, %dma_start3A_89] : memref<32x200x128xi32, #tpu.memory_space<hbm>> -> memref<1x200x128xi32, #tpu.memory_space<hbm>>
      %dma_start3A_91 = tpu.memref_squeeze %dma_start3A_90 : memref<1x200x128xi32, #tpu.memory_space<hbm>> -> memref<200x128xi32, #tpu.memory_space<hbm>>
      tpu.enqueue_dma source(%dma_start3A_91 : memref<200x128xi32, #tpu.memory_space<hbm>>) target(%arg5 : memref<200x128xi32, #tpu.memory_space<vmem>>) target_semaphore(%run_scoped3A : memref<!tpu.dma_semaphore, #tpu.memory_space<semaphore_mem>>)
      %dma_wait3A_92 = arith.constant 0 : i32
      %dma_wait3A_93 = arith.constant 0 : i32
      %dma_wait3A_94 = tpu.memref_slice %arg2[%add3A, %dma_wait3A_92, %dma_wait3A_93] : memref<32x200x128xi32, #tpu.memory_space<hbm>> -> memref<1x200x128xi32, #tpu.memory_space<hbm>>
      %dma_wait3A_95 = tpu.memref_squeeze %dma_wait3A_94 : memref<1x200x128xi32, #tpu.memory_space<hbm>> -> memref<200x128xi32, #tpu.memory_space<hbm>>
      %dma_wait3A_96 = arith.constant 0 : i32
      %dma_wait3A_97 = arith.constant 0 : i32
      %dma_wait3A_98 = tpu.memref_slice %arg2[%add3A, %dma_wait3A_96, %dma_wait3A_97] : memref<32x200x128xi32, #tpu.memory_space<hbm>> -> memref<1x200x128xi32, #tpu.memory_space<hbm>>
      %dma_wait3A_99 = tpu.memref_squeeze %dma_wait3A_98 : memref<1x200x128xi32, #tpu.memory_space<hbm>> -> memref<200x128xi32, #tpu.memory_space<hbm>>
      tpu.wait_dma2 semaphore(%run_scoped3A : memref<!tpu.dma_semaphore, #tpu.memory_space<semaphore_mem>>) src(%dma_wait3A_99 : memref<200x128xi32, #tpu.memory_space<hbm>>) dst(%arg5 : memref<200x128xi32, #tpu.memory_space<vmem>>)
      tpu.yield
    }) : () -> ()
    %barrier3A = arith.constant 0 : index
    tpu.barrier barrier_id(%barrier3A)
    %dma_start3A = arith.constant 0 : i32
    %dma_start3A_3 = arith.constant 0 : i32
    %dma_start3A_4 = arith.constant 0 : i32
    %dma_start3A_5 = arith.constant 0 : i32
    %dma_start3A_6 = tpu.memref_slice %arg6[%dma_start3A_3, %dma_start3A_4, %dma_start3A_5] : memref<2x512x64xf32, #tpu.memory_space<vmem>> -> memref<1x512x64xf32, #tpu.memory_space<vmem>>
    %dma_start3A_7 = tpu.memref_squeeze %dma_start3A_6 : memref<1x512x64xf32, #tpu.memory_space<vmem>> -> memref<512x64xf32, #tpu.memory_space<vmem>>
    %dma_start3A_8 = arith.constant 0 : i32
    %dma_start3A_9 = arith.constant 0 : i32
    %dma_start3A_10 = tpu.memref_slice %dma_start3A_7[%dma_start3A_8, %dma_start3A_9] : memref<512x64xf32, #tpu.memory_space<vmem>> -> memref<128x64xf32, #tpu.memory_space<vmem>>
    %dma_start3A_11 = arith.constant 0 : i32
    %dma_start3A_12 = tpu.memref_slice %arg5[%dma_start3A, %dma_start3A_11] : memref<200x128xi32, #tpu.memory_space<vmem>> -> memref<1x128xi32, #tpu.memory_space<vmem>>
    %dma_start3A_13 = tpu.memref_squeeze %dma_start3A_12 : memref<1x128xi32, #tpu.memory_space<vmem>> -> memref<128xi32, #tpu.memory_space<vmem>>
    %dma_start3A_14 = arith.constant 0 : i32
    %dma_start3A_15 = arith.constant 0 : i32
    %dma_start3A_16 = tpu.memref_slice %arg7[%dma_start3A_14, %dma_start3A_15] : memref<200x64xf32, #tpu.memory_space<vmem_shared>> -> memref<200x64xf32, #tpu.memory_space<vmem_shared>>
    tpu.enqueue_indirect_dma source(%dma_start3A_16 : memref<200x64xf32, #tpu.memory_space<vmem_shared>>) target(%dma_start3A_10 : memref<128x64xf32, #tpu.memory_space<vmem>>) offsets(%dma_start3A_13 : memref<128xi32, #tpu.memory_space<vmem>>) semaphore(%arg8 : memref<!tpu.dma_semaphore, #tpu.memory_space<semaphore_mem>>)
    %dma_start3A_17 = arith.constant 1 : i32
    %dma_start3A_18 = arith.constant 0 : i32
    %dma_start3A_19 = arith.constant 0 : i32
    %dma_start3A_20 = arith.constant 0 : i32
    %dma_start3A_21 = tpu.memref_slice %arg6[%dma_start3A_18, %dma_start3A_19, %dma_start3A_20] : memref<2x512x64xf32, #tpu.memory_space<vmem>> -> memref<1x512x64xf32, #tpu.memory_space<vmem>>
    %dma_start3A_22 = tpu.memref_squeeze %dma_start3A_21 : memref<1x512x64xf32, #tpu.memory_space<vmem>> -> memref<512x64xf32, #tpu.memory_space<vmem>>
    %dma_start3A_23 = arith.constant 128 : i32
    %dma_start3A_24 = arith.constant 0 : i32
    %dma_start3A_25 = tpu.memref_slice %dma_start3A_22[%dma_start3A_23, %dma_start3A_24] : memref<512x64xf32, #tpu.memory_space<vmem>> -> memref<128x64xf32, #tpu.memory_space<vmem>>
    %dma_start3A_26 = arith.constant 0 : i32
    %dma_start3A_27 = tpu.memref_slice %arg5[%dma_start3A_17, %dma_start3A_26] : memref<200x128xi32, #tpu.memory_space<vmem>> -> memref<1x128xi32, #tpu.memory_space<vmem>>
    %dma_start3A_28 = tpu.memref_squeeze %dma_start3A_27 : memref<1x128xi32, #tpu.memory_space<vmem>> -> memref<128xi32, #tpu.memory_space<vmem>>
    %dma_start3A_29 = arith.constant 0 : i32
    %dma_start3A_30 = arith.constant 0 : i32
    %dma_start3A_31 = tpu.memref_slice %arg7[%dma_start3A_29, %dma_start3A_30] : memref<200x64xf32, #tpu.memory_space<vmem_shared>> -> memref<200x64xf32, #tpu.memory_space<vmem_shared>>
    tpu.enqueue_indirect_dma source(%dma_start3A_31 : memref<200x64xf32, #tpu.memory_space<vmem_shared>>) target(%dma_start3A_25 : memref<128x64xf32, #tpu.memory_space<vmem>>) offsets(%dma_start3A_28 : memref<128xi32, #tpu.memory_space<vmem>>) semaphore(%arg8 : memref<!tpu.dma_semaphore, #tpu.memory_space<semaphore_mem>>)
    %dma_start3A_32 = arith.constant 2 : i32
    %dma_start3A_33 = arith.constant 0 : i32
    %dma_start3A_34 = arith.constant 0 : i32
    %dma_start3A_35 = arith.constant 0 : i32
    %dma_start3A_36 = tpu.memref_slice %arg6[%dma_start3A_33, %dma_start3A_34, %dma_start3A_35] : memref<2x512x64xf32, #tpu.memory_space<vmem>> -> memref<1x512x64xf32, #tpu.memory_space<vmem>>
    %dma_start3A_37 = tpu.memref_squeeze %dma_start3A_36 : memref<1x512x64xf32, #tpu.memory_space<vmem>> -> memref<512x64xf32, #tpu.memory_space<vmem>>
    %dma_start3A_38 = arith.constant 256 : i32
    %dma_start3A_39 = arith.constant 0 : i32
    %dma_start3A_40 = tpu.memref_slice %dma_start3A_37[%dma_start3A_38, %dma_start3A_39] : memref<512x64xf32, #tpu.memory_space<vmem>> -> memref<128x64xf32, #tpu.memory_space<vmem>>
    %dma_start3A_41 = arith.constant 0 : i32
    %dma_start3A_42 = tpu.memref_slice %arg5[%dma_start3A_32, %dma_start3A_41] : memref<200x128xi32, #tpu.memory_space<vmem>> -> memref<1x128xi32, #tpu.memory_space<vmem>>
    %dma_start3A_43 = tpu.memref_squeeze %dma_start3A_42 : memref<1x128xi32, #tpu.memory_space<vmem>> -> memref<128xi32, #tpu.memory_space<vmem>>
    %dma_start3A_44 = arith.constant 0 : i32
    %dma_start3A_45 = arith.constant 0 : i32
    %dma_start3A_46 = tpu.memref_slice %arg7[%dma_start3A_44, %dma_start3A_45] : memref<200x64xf32, #tpu.memory_space<vmem_shared>> -> memref<200x64xf32, #tpu.memory_space<vmem_shared>>
    tpu.enqueue_indirect_dma source(%dma_start3A_46 : memref<200x64xf32, #tpu.memory_space<vmem_shared>>) target(%dma_start3A_40 : memref<128x64xf32, #tpu.memory_space<vmem>>) offsets(%dma_start3A_43 : memref<128xi32, #tpu.memory_space<vmem>>) semaphore(%arg8 : memref<!tpu.dma_semaphore, #tpu.memory_space<semaphore_mem>>)
    %dma_start3A_47 = arith.constant 3 : i32
    %dma_start3A_48 = arith.constant 0 : i32
    %dma_start3A_49 = arith.constant 0 : i32
    %dma_start3A_50 = arith.constant 0 : i32
    %dma_start3A_51 = tpu.memref_slice %arg6[%dma_start3A_48, %dma_start3A_49, %dma_start3A_50] : memref<2x512x64xf32, #tpu.memory_space<vmem>> -> memref<1x512x64xf32, #tpu.memory_space<vmem>>
    %dma_start3A_52 = tpu.memref_squeeze %dma_start3A_51 : memref<1x512x64xf32, #tpu.memory_space<vmem>> -> memref<512x64xf32, #tpu.memory_space<vmem>>
    %dma_start3A_53 = arith.constant 384 : i32
    %dma_start3A_54 = arith.constant 0 : i32
    %dma_start3A_55 = tpu.memref_slice %dma_start3A_52[%dma_start3A_53, %dma_start3A_54] : memref<512x64xf32, #tpu.memory_space<vmem>> -> memref<128x64xf32, #tpu.memory_space<vmem>>
    %dma_start3A_56 = arith.constant 0 : i32
    %dma_start3A_57 = tpu.memref_slice %arg5[%dma_start3A_47, %dma_start3A_56] : memref<200x128xi32, #tpu.memory_space<vmem>> -> memref<1x128xi32, #tpu.memory_space<vmem>>
    %dma_start3A_58 = tpu.memref_squeeze %dma_start3A_57 : memref<1x128xi32, #tpu.memory_space<vmem>> -> memref<128xi32, #tpu.memory_space<vmem>>
    %dma_start3A_59 = arith.constant 0 : i32
    %dma_start3A_60 = arith.constant 0 : i32
    %dma_start3A_61 = tpu.memref_slice %arg7[%dma_start3A_59, %dma_start3A_60] : memref<200x64xf32, #tpu.memory_space<vmem_shared>> -> memref<200x64xf32, #tpu.memory_space<vmem_shared>>
    tpu.enqueue_indirect_dma source(%dma_start3A_61 : memref<200x64xf32, #tpu.memory_space<vmem_shared>>) target(%dma_start3A_55 : memref<128x64xf32, #tpu.memory_space<vmem>>) offsets(%dma_start3A_58 : memref<128xi32, #tpu.memory_space<vmem>>) semaphore(%arg8 : memref<!tpu.dma_semaphore, #tpu.memory_space<semaphore_mem>>)
    %scan3A = arith.constant 0 : i32
    %scan3A_62 = arith.constant 0 : i32
    %scan3A_63 = arith.constant 50 : i32
    %scan3A_64 = arith.addi %scan3A_62, %scan3A_63 : i32
    %scan3A_65 = arith.constant 1 : i32
    scf.for %scan3A_84 = %scan3A_62 to %scan3A_64 step %scan3A_65  : i32 {
      %rem3A_85 = arith.constant 2 : i32
      %rem3A_86 = arith.remsi %scan3A_84, %rem3A_85 : i32
      %sub3A = arith.constant 1 : i32
      %sub3A_87 = arith.subi %sub3A, %rem3A_86 : i32
      %ge3A = arith.constant 1 : i32
      %ge3A_88 = arith.cmpi sge, %scan3A_84, %ge3A : i32
      %convert_element_type3A_89 = arith.extui %ge3A_88 : i1 to i32
      %cond3A_90 = arith.constant 0 : i32
      %cond3A_91 = arith.cmpi ne, %convert_element_type3A_89, %cond3A_90 : i32
      scf.if %cond3A_91 {
        %sub3A_183 = arith.constant 1 : i32
        %sub3A_184 = arith.subi %scan3A_84, %sub3A_183 : i32
        %mul3A_185 = arith.constant 25600 : i32
        %mul3A_186 = arith.muli %add3A, %mul3A_185 : i32
        %mul3A_187 = arith.constant 512 : i32
        %mul3A_188 = arith.muli %sub3A_184, %mul3A_187 : i32
        %add3A_189 = arith.addi %mul3A_186, %mul3A_188 : i32
        %dma_wait3A_190 = arith.constant 0 : i32
        %dma_wait3A_191 = arith.constant 0 : i32
        %dma_wait3A_192 = tpu.memref_slice %arg6[%sub3A_87, %dma_wait3A_190, %dma_wait3A_191] : memref<2x512x64xf32, #tpu.memory_space<vmem>> -> memref<1x512x64xf32, #tpu.memory_space<vmem>>
        %dma_wait3A_193 = tpu.memref_squeeze %dma_wait3A_192 : memref<1x512x64xf32, #tpu.memory_space<vmem>> -> memref<512x64xf32, #tpu.memory_space<vmem>>
        %dma_wait3A_194 = arith.constant 0 : i32
        %dma_wait3A_195 = tpu.memref_slice %arg4[%add3A_189, %dma_wait3A_194] : memref<819200x64xf32, #tpu.memory_space<hbm>> -> memref<512x64xf32, #tpu.memory_space<hbm>>
        %dma_wait3A_196 = arith.constant 0 : i32
        %dma_wait3A_197 = tpu.memref_slice %arg4[%add3A_189, %dma_wait3A_196] : memref<819200x64xf32, #tpu.memory_space<hbm>> -> memref<512x64xf32, #tpu.memory_space<hbm>>
        %dma_wait3A_198 = arith.constant 0 : i32
        %dma_wait3A_199 = arith.constant 0 : i32
        %dma_wait3A_200 = tpu.memref_slice %arg6[%sub3A_87, %dma_wait3A_198, %dma_wait3A_199] : memref<2x512x64xf32, #tpu.memory_space<vmem>> -> memref<1x512x64xf32, #tpu.memory_space<vmem>>
        %dma_wait3A_201 = tpu.memref_squeeze %dma_wait3A_200 : memref<1x512x64xf32, #tpu.memory_space<vmem>> -> memref<512x64xf32, #tpu.memory_space<vmem>>
        tpu.wait_dma2 semaphore(%arg9 : memref<!tpu.dma_semaphore, #tpu.memory_space<semaphore_mem>>) src(%dma_wait3A_201 : memref<512x64xf32, #tpu.memory_space<vmem>>) dst(%dma_wait3A_197 : memref<512x64xf32, #tpu.memory_space<hbm>>)
      } else {
      }
      %add3A_92 = arith.constant 1 : i32
      %add3A_93 = arith.addi %scan3A_84, %add3A_92 : i32
      %lt3A = arith.constant 50 : i32
      %lt3A_94 = arith.cmpi slt, %add3A_93, %lt3A : i32
      %convert_element_type3A_95 = arith.extui %lt3A_94 : i1 to i32
      %cond3A_96 = arith.constant 0 : i32
      %cond3A_97 = arith.cmpi ne, %convert_element_type3A_95, %cond3A_96 : i32
      scf.if %cond3A_97 {
        %add3A_183 = arith.constant 1 : i32
        %add3A_184 = arith.addi %scan3A_84, %add3A_183 : i32
        %mul3A_185 = arith.constant 4 : i32
        %mul3A_186 = arith.muli %add3A_184, %mul3A_185 : i32
        %add3A_187 = arith.constant 0 : i32
        %add3A_188 = arith.addi %mul3A_186, %add3A_187 : i32
        %dma_start3A_189 = arith.constant 0 : i32
        %dma_start3A_190 = arith.constant 0 : i32
        %dma_start3A_191 = tpu.memref_slice %arg6[%sub3A_87, %dma_start3A_189, %dma_start3A_190] : memref<2x512x64xf32, #tpu.memory_space<vmem>> -> memref<1x512x64xf32, #tpu.memory_space<vmem>>
        %dma_start3A_192 = tpu.memref_squeeze %dma_start3A_191 : memref<1x512x64xf32, #tpu.memory_space<vmem>> -> memref<512x64xf32, #tpu.memory_space<vmem>>
        %dma_start3A_193 = arith.constant 0 : i32
        %dma_start3A_194 = arith.constant 0 : i32
        %dma_start3A_195 = tpu.memref_slice %dma_start3A_192[%dma_start3A_193, %dma_start3A_194] : memref<512x64xf32, #tpu.memory_space<vmem>> -> memref<128x64xf32, #tpu.memory_space<vmem>>
        %dma_start3A_196 = arith.constant 0 : i32
        %dma_start3A_197 = tpu.memref_slice %arg5[%add3A_188, %dma_start3A_196] : memref<200x128xi32, #tpu.memory_space<vmem>> -> memref<1x128xi32, #tpu.memory_space<vmem>>
        %dma_start3A_198 = tpu.memref_squeeze %dma_start3A_197 : memref<1x128xi32, #tpu.memory_space<vmem>> -> memref<128xi32, #tpu.memory_space<vmem>>
        %dma_start3A_199 = arith.constant 0 : i32
        %dma_start3A_200 = arith.constant 0 : i32
        %dma_start3A_201 = tpu.memref_slice %arg7[%dma_start3A_199, %dma_start3A_200] : memref<200x64xf32, #tpu.memory_space<vmem_shared>> -> memref<200x64xf32, #tpu.memory_space<vmem_shared>>
        tpu.enqueue_indirect_dma source(%dma_start3A_201 : memref<200x64xf32, #tpu.memory_space<vmem_shared>>) target(%dma_start3A_195 : memref<128x64xf32, #tpu.memory_space<vmem>>) offsets(%dma_start3A_198 : memref<128xi32, #tpu.memory_space<vmem>>) semaphore(%arg8 : memref<!tpu.dma_semaphore, #tpu.memory_space<semaphore_mem>>)
        %mul3A_202 = arith.constant 4 : i32
        %mul3A_203 = arith.muli %add3A_184, %mul3A_202 : i32
        %add3A_204 = arith.constant 1 : i32
        %add3A_205 = arith.addi %mul3A_203, %add3A_204 : i32
        %dma_start3A_206 = arith.constant 0 : i32
        %dma_start3A_207 = arith.constant 0 : i32
        %dma_start3A_208 = tpu.memref_slice %arg6[%sub3A_87, %dma_start3A_206, %dma_start3A_207] : memref<2x512x64xf32, #tpu.memory_space<vmem>> -> memref<1x512x64xf32, #tpu.memory_space<vmem>>
        %dma_start3A_209 = tpu.memref_squeeze %dma_start3A_208 : memref<1x512x64xf32, #tpu.memory_space<vmem>> -> memref<512x64xf32, #tpu.memory_space<vmem>>
        %dma_start3A_210 = arith.constant 128 : i32
        %dma_start3A_211 = arith.constant 0 : i32
        %dma_start3A_212 = tpu.memref_slice %dma_start3A_209[%dma_start3A_210, %dma_start3A_211] : memref<512x64xf32, #tpu.memory_space<vmem>> -> memref<128x64xf32, #tpu.memory_space<vmem>>
        %dma_start3A_213 = arith.constant 0 : i32
        %dma_start3A_214 = tpu.memref_slice %arg5[%add3A_205, %dma_start3A_213] : memref<200x128xi32, #tpu.memory_space<vmem>> -> memref<1x128xi32, #tpu.memory_space<vmem>>
        %dma_start3A_215 = tpu.memref_squeeze %dma_start3A_214 : memref<1x128xi32, #tpu.memory_space<vmem>> -> memref<128xi32, #tpu.memory_space<vmem>>
        %dma_start3A_216 = arith.constant 0 : i32
        %dma_start3A_217 = arith.constant 0 : i32
        %dma_start3A_218 = tpu.memref_slice %arg7[%dma_start3A_216, %dma_start3A_217] : memref<200x64xf32, #tpu.memory_space<vmem_shared>> -> memref<200x64xf32, #tpu.memory_space<vmem_shared>>
        tpu.enqueue_indirect_dma source(%dma_start3A_218 : memref<200x64xf32, #tpu.memory_space<vmem_shared>>) target(%dma_start3A_212 : memref<128x64xf32, #tpu.memory_space<vmem>>) offsets(%dma_start3A_215 : memref<128xi32, #tpu.memory_space<vmem>>) semaphore(%arg8 : memref<!tpu.dma_semaphore, #tpu.memory_space<semaphore_mem>>)
        %mul3A_219 = arith.constant 4 : i32
        %mul3A_220 = arith.muli %add3A_184, %mul3A_219 : i32
        %add3A_221 = arith.constant 2 : i32
        %add3A_222 = arith.addi %mul3A_220, %add3A_221 : i32
        %dma_start3A_223 = arith.constant 0 : i32
        %dma_start3A_224 = arith.constant 0 : i32
        %dma_start3A_225 = tpu.memref_slice %arg6[%sub3A_87, %dma_start3A_223, %dma_start3A_224] : memref<2x512x64xf32, #tpu.memory_space<vmem>> -> memref<1x512x64xf32, #tpu.memory_space<vmem>>
        %dma_start3A_226 = tpu.memref_squeeze %dma_start3A_225 : memref<1x512x64xf32, #tpu.memory_space<vmem>> -> memref<512x64xf32, #tpu.memory_space<vmem>>
        %dma_start3A_227 = arith.constant 256 : i32
        %dma_start3A_228 = arith.constant 0 : i32
        %dma_start3A_229 = tpu.memref_slice %dma_start3A_226[%dma_start3A_227, %dma_start3A_228] : memref<512x64xf32, #tpu.memory_space<vmem>> -> memref<128x64xf32, #tpu.memory_space<vmem>>
        %dma_start3A_230 = arith.constant 0 : i32
        %dma_start3A_231 = tpu.memref_slice %arg5[%add3A_222, %dma_start3A_230] : memref<200x128xi32, #tpu.memory_space<vmem>> -> memref<1x128xi32, #tpu.memory_space<vmem>>
        %dma_start3A_232 = tpu.memref_squeeze %dma_start3A_231 : memref<1x128xi32, #tpu.memory_space<vmem>> -> memref<128xi32, #tpu.memory_space<vmem>>
        %dma_start3A_233 = arith.constant 0 : i32
        %dma_start3A_234 = arith.constant 0 : i32
        %dma_start3A_235 = tpu.memref_slice %arg7[%dma_start3A_233, %dma_start3A_234] : memref<200x64xf32, #tpu.memory_space<vmem_shared>> -> memref<200x64xf32, #tpu.memory_space<vmem_shared>>
        tpu.enqueue_indirect_dma source(%dma_start3A_235 : memref<200x64xf32, #tpu.memory_space<vmem_shared>>) target(%dma_start3A_229 : memref<128x64xf32, #tpu.memory_space<vmem>>) offsets(%dma_start3A_232 : memref<128xi32, #tpu.memory_space<vmem>>) semaphore(%arg8 : memref<!tpu.dma_semaphore, #tpu.memory_space<semaphore_mem>>)
        %mul3A_236 = arith.constant 4 : i32
        %mul3A_237 = arith.muli %add3A_184, %mul3A_236 : i32
        %add3A_238 = arith.constant 3 : i32
        %add3A_239 = arith.addi %mul3A_237, %add3A_238 : i32
        %dma_start3A_240 = arith.constant 0 : i32
        %dma_start3A_241 = arith.constant 0 : i32
        %dma_start3A_242 = tpu.memref_slice %arg6[%sub3A_87, %dma_start3A_240, %dma_start3A_241] : memref<2x512x64xf32, #tpu.memory_space<vmem>> -> memref<1x512x64xf32, #tpu.memory_space<vmem>>
        %dma_start3A_243 = tpu.memref_squeeze %dma_start3A_242 : memref<1x512x64xf32, #tpu.memory_space<vmem>> -> memref<512x64xf32, #tpu.memory_space<vmem>>
        %dma_start3A_244 = arith.constant 384 : i32
        %dma_start3A_245 = arith.constant 0 : i32
        %dma_start3A_246 = tpu.memref_slice %dma_start3A_243[%dma_start3A_244, %dma_start3A_245] : memref<512x64xf32, #tpu.memory_space<vmem>> -> memref<128x64xf32, #tpu.memory_space<vmem>>
        %dma_start3A_247 = arith.constant 0 : i32
        %dma_start3A_248 = tpu.memref_slice %arg5[%add3A_239, %dma_start3A_247] : memref<200x128xi32, #tpu.memory_space<vmem>> -> memref<1x128xi32, #tpu.memory_space<vmem>>
        %dma_start3A_249 = tpu.memref_squeeze %dma_start3A_248 : memref<1x128xi32, #tpu.memory_space<vmem>> -> memref<128xi32, #tpu.memory_space<vmem>>
        %dma_start3A_250 = arith.constant 0 : i32
        %dma_start3A_251 = arith.constant 0 : i32
        %dma_start3A_252 = tpu.memref_slice %arg7[%dma_start3A_250, %dma_start3A_251] : memref<200x64xf32, #tpu.memory_space<vmem_shared>> -> memref<200x64xf32, #tpu.memory_space<vmem_shared>>
        tpu.enqueue_indirect_dma source(%dma_start3A_252 : memref<200x64xf32, #tpu.memory_space<vmem_shared>>) target(%dma_start3A_246 : memref<128x64xf32, #tpu.memory_space<vmem>>) offsets(%dma_start3A_249 : memref<128xi32, #tpu.memory_space<vmem>>) semaphore(%arg8 : memref<!tpu.dma_semaphore, #tpu.memory_space<semaphore_mem>>)
      } else {
      }
      %mul3A_98 = arith.constant 4 : i32
      %mul3A_99 = arith.muli %scan3A_84, %mul3A_98 : i32
      %add3A_100 = arith.constant 0 : i32
      %add3A_101 = arith.addi %mul3A_99, %add3A_100 : i32
      %dma_wait3A_102 = arith.constant 0 : i32
      %dma_wait3A_103 = arith.constant 0 : i32
      %dma_wait3A_104 = tpu.memref_slice %arg6[%rem3A_86, %dma_wait3A_102, %dma_wait3A_103] : memref<2x512x64xf32, #tpu.memory_space<vmem>> -> memref<1x512x64xf32, #tpu.memory_space<vmem>>
      %dma_wait3A_105 = tpu.memref_squeeze %dma_wait3A_104 : memref<1x512x64xf32, #tpu.memory_space<vmem>> -> memref<512x64xf32, #tpu.memory_space<vmem>>
      %dma_wait3A_106 = arith.constant 0 : i32
      %dma_wait3A_107 = arith.constant 0 : i32
      %dma_wait3A_108 = tpu.memref_slice %dma_wait3A_105[%dma_wait3A_106, %dma_wait3A_107] : memref<512x64xf32, #tpu.memory_space<vmem>> -> memref<128x64xf32, #tpu.memory_space<vmem>>
      %dma_wait3A_109 = arith.constant 0 : i32
      %dma_wait3A_110 = tpu.memref_slice %arg5[%add3A_101, %dma_wait3A_109] : memref<200x128xi32, #tpu.memory_space<vmem>> -> memref<1x128xi32, #tpu.memory_space<vmem>>
      %dma_wait3A_111 = tpu.memref_squeeze %dma_wait3A_110 : memref<1x128xi32, #tpu.memory_space<vmem>> -> memref<128xi32, #tpu.memory_space<vmem>>
      %dma_wait3A_112 = arith.constant 0 : i32
      %dma_wait3A_113 = arith.constant 0 : i32
      %dma_wait3A_114 = tpu.memref_slice %arg7[%dma_wait3A_112, %dma_wait3A_113] : memref<200x64xf32, #tpu.memory_space<vmem_shared>> -> memref<200x64xf32, #tpu.memory_space<vmem_shared>>
      tpu.wait_indirect_dma semaphore(%arg8 : memref<!tpu.dma_semaphore, #tpu.memory_space<semaphore_mem>>) src(%dma_wait3A_114 : memref<200x64xf32, #tpu.memory_space<vmem_shared>>) dst(%dma_wait3A_108 : memref<128x64xf32, #tpu.memory_space<vmem>>)
      %mul3A_115 = arith.constant 4 : i32
      %mul3A_116 = arith.muli %scan3A_84, %mul3A_115 : i32
      %add3A_117 = arith.constant 1 : i32
      %add3A_118 = arith.addi %mul3A_116, %add3A_117 : i32
      %dma_wait3A_119 = arith.constant 0 : i32
      %dma_wait3A_120 = arith.constant 0 : i32
      %dma_wait3A_121 = tpu.memref_slice %arg6[%rem3A_86, %dma_wait3A_119, %dma_wait3A_120] : memref<2x512x64xf32, #tpu.memory_space<vmem>> -> memref<1x512x64xf32, #tpu.memory_space<vmem>>
      %dma_wait3A_122 = tpu.memref_squeeze %dma_wait3A_121 : memref<1x512x64xf32, #tpu.memory_space<vmem>> -> memref<512x64xf32, #tpu.memory_space<vmem>>
      %dma_wait3A_123 = arith.constant 128 : i32
      %dma_wait3A_124 = arith.constant 0 : i32
      %dma_wait3A_125 = tpu.memref_slice %dma_wait3A_122[%dma_wait3A_123, %dma_wait3A_124] : memref<512x64xf32, #tpu.memory_space<vmem>> -> memref<128x64xf32, #tpu.memory_space<vmem>>
      %dma_wait3A_126 = arith.constant 0 : i32
      %dma_wait3A_127 = tpu.memref_slice %arg5[%add3A_118, %dma_wait3A_126] : memref<200x128xi32, #tpu.memory_space<vmem>> -> memref<1x128xi32, #tpu.memory_space<vmem>>
      %dma_wait3A_128 = tpu.memref_squeeze %dma_wait3A_127 : memref<1x128xi32, #tpu.memory_space<vmem>> -> memref<128xi32, #tpu.memory_space<vmem>>
      %dma_wait3A_129 = arith.constant 0 : i32
      %dma_wait3A_130 = arith.constant 0 : i32
      %dma_wait3A_131 = tpu.memref_slice %arg7[%dma_wait3A_129, %dma_wait3A_130] : memref<200x64xf32, #tpu.memory_space<vmem_shared>> -> memref<200x64xf32, #tpu.memory_space<vmem_shared>>
      tpu.wait_indirect_dma semaphore(%arg8 : memref<!tpu.dma_semaphore, #tpu.memory_space<semaphore_mem>>) src(%dma_wait3A_131 : memref<200x64xf32, #tpu.memory_space<vmem_shared>>) dst(%dma_wait3A_125 : memref<128x64xf32, #tpu.memory_space<vmem>>)
      %mul3A_132 = arith.constant 4 : i32
      %mul3A_133 = arith.muli %scan3A_84, %mul3A_132 : i32
      %add3A_134 = arith.constant 2 : i32
      %add3A_135 = arith.addi %mul3A_133, %add3A_134 : i32
      %dma_wait3A_136 = arith.constant 0 : i32
      %dma_wait3A_137 = arith.constant 0 : i32
      %dma_wait3A_138 = tpu.memref_slice %arg6[%rem3A_86, %dma_wait3A_136, %dma_wait3A_137] : memref<2x512x64xf32, #tpu.memory_space<vmem>> -> memref<1x512x64xf32, #tpu.memory_space<vmem>>
      %dma_wait3A_139 = tpu.memref_squeeze %dma_wait3A_138 : memref<1x512x64xf32, #tpu.memory_space<vmem>> -> memref<512x64xf32, #tpu.memory_space<vmem>>
      %dma_wait3A_140 = arith.constant 256 : i32
      %dma_wait3A_141 = arith.constant 0 : i32
      %dma_wait3A_142 = tpu.memref_slice %dma_wait3A_139[%dma_wait3A_140, %dma_wait3A_141] : memref<512x64xf32, #tpu.memory_space<vmem>> -> memref<128x64xf32, #tpu.memory_space<vmem>>
      %dma_wait3A_143 = arith.constant 0 : i32
      %dma_wait3A_144 = tpu.memref_slice %arg5[%add3A_135, %dma_wait3A_143] : memref<200x128xi32, #tpu.memory_space<vmem>> -> memref<1x128xi32, #tpu.memory_space<vmem>>
      %dma_wait3A_145 = tpu.memref_squeeze %dma_wait3A_144 : memref<1x128xi32, #tpu.memory_space<vmem>> -> memref<128xi32, #tpu.memory_space<vmem>>
      %dma_wait3A_146 = arith.constant 0 : i32
      %dma_wait3A_147 = arith.constant 0 : i32
      %dma_wait3A_148 = tpu.memref_slice %arg7[%dma_wait3A_146, %dma_wait3A_147] : memref<200x64xf32, #tpu.memory_space<vmem_shared>> -> memref<200x64xf32, #tpu.memory_space<vmem_shared>>
      tpu.wait_indirect_dma semaphore(%arg8 : memref<!tpu.dma_semaphore, #tpu.memory_space<semaphore_mem>>) src(%dma_wait3A_148 : memref<200x64xf32, #tpu.memory_space<vmem_shared>>) dst(%dma_wait3A_142 : memref<128x64xf32, #tpu.memory_space<vmem>>)
      %mul3A_149 = arith.constant 4 : i32
      %mul3A_150 = arith.muli %scan3A_84, %mul3A_149 : i32
      %add3A_151 = arith.constant 3 : i32
      %add3A_152 = arith.addi %mul3A_150, %add3A_151 : i32
      %dma_wait3A_153 = arith.constant 0 : i32
      %dma_wait3A_154 = arith.constant 0 : i32
      %dma_wait3A_155 = tpu.memref_slice %arg6[%rem3A_86, %dma_wait3A_153, %dma_wait3A_154] : memref<2x512x64xf32, #tpu.memory_space<vmem>> -> memref<1x512x64xf32, #tpu.memory_space<vmem>>
      %dma_wait3A_156 = tpu.memref_squeeze %dma_wait3A_155 : memref<1x512x64xf32, #tpu.memory_space<vmem>> -> memref<512x64xf32, #tpu.memory_space<vmem>>
      %dma_wait3A_157 = arith.constant 384 : i32
      %dma_wait3A_158 = arith.constant 0 : i32
      %dma_wait3A_159 = tpu.memref_slice %dma_wait3A_156[%dma_wait3A_157, %dma_wait3A_158] : memref<512x64xf32, #tpu.memory_space<vmem>> -> memref<128x64xf32, #tpu.memory_space<vmem>>
      %dma_wait3A_160 = arith.constant 0 : i32
      %dma_wait3A_161 = tpu.memref_slice %arg5[%add3A_152, %dma_wait3A_160] : memref<200x128xi32, #tpu.memory_space<vmem>> -> memref<1x128xi32, #tpu.memory_space<vmem>>
      %dma_wait3A_162 = tpu.memref_squeeze %dma_wait3A_161 : memref<1x128xi32, #tpu.memory_space<vmem>> -> memref<128xi32, #tpu.memory_space<vmem>>
      %dma_wait3A_163 = arith.constant 0 : i32
      %dma_wait3A_164 = arith.constant 0 : i32
      %dma_wait3A_165 = tpu.memref_slice %arg7[%dma_wait3A_163, %dma_wait3A_164] : memref<200x64xf32, #tpu.memory_space<vmem_shared>> -> memref<200x64xf32, #tpu.memory_space<vmem_shared>>
      tpu.wait_indirect_dma semaphore(%arg8 : memref<!tpu.dma_semaphore, #tpu.memory_space<semaphore_mem>>) src(%dma_wait3A_165 : memref<200x64xf32, #tpu.memory_space<vmem_shared>>) dst(%dma_wait3A_159 : memref<128x64xf32, #tpu.memory_space<vmem>>)
      %mul3A_166 = arith.constant 25600 : i32
      %mul3A_167 = arith.muli %add3A, %mul3A_166 : i32
      %mul3A_168 = arith.constant 512 : i32
      %mul3A_169 = arith.muli %scan3A_84, %mul3A_168 : i32
      %add3A_170 = arith.addi %mul3A_167, %mul3A_169 : i32
      %dma_start3A_171 = arith.constant 0 : i32
      %dma_start3A_172 = arith.constant 0 : i32
      %dma_start3A_173 = tpu.memref_slice %arg6[%rem3A_86, %dma_start3A_171, %dma_start3A_172] : memref<2x512x64xf32, #tpu.memory_space<vmem>> -> memref<1x512x64xf32, #tpu.memory_space<vmem>>
      %dma_start3A_174 = tpu.memref_squeeze %dma_start3A_173 : memref<1x512x64xf32, #tpu.memory_space<vmem>> -> memref<512x64xf32, #tpu.memory_space<vmem>>
      %dma_start3A_175 = arith.constant 0 : i32
      %dma_start3A_176 = tpu.memref_slice %arg4[%add3A_170, %dma_start3A_175] : memref<819200x64xf32, #tpu.memory_space<hbm>> -> memref<512x64xf32, #tpu.memory_space<hbm>>
      %dma_start3A_177 = arith.constant 0 : i32
      %dma_start3A_178 = tpu.memref_slice %arg4[%add3A_170, %dma_start3A_177] : memref<819200x64xf32, #tpu.memory_space<hbm>> -> memref<512x64xf32, #tpu.memory_space<hbm>>
      %dma_start3A_179 = arith.constant 0 : i32
      %dma_start3A_180 = arith.constant 0 : i32
      %dma_start3A_181 = tpu.memref_slice %arg6[%rem3A_86, %dma_start3A_179, %dma_start3A_180] : memref<2x512x64xf32, #tpu.memory_space<vmem>> -> memref<1x512x64xf32, #tpu.memory_space<vmem>>
      %dma_start3A_182 = tpu.memref_squeeze %dma_start3A_181 : memref<1x512x64xf32, #tpu.memory_space<vmem>> -> memref<512x64xf32, #tpu.memory_space<vmem>>
      tpu.enqueue_dma source(%dma_start3A_182 : memref<512x64xf32, #tpu.memory_space<vmem>>) target(%dma_start3A_178 : memref<512x64xf32, #tpu.memory_space<hbm>>) target_semaphore(%arg9 : memref<!tpu.dma_semaphore, #tpu.memory_space<semaphore_mem>>)
    }
    %scan3A_66 = arith.constant 50 : i32
    %rem3A = arith.constant 49 : i32
    %rem3A_67 = arith.constant 2 : i32
    %rem3A_68 = arith.remsi %rem3A, %rem3A_67 : i32
    %mul3A_69 = arith.constant 25600 : i32
    %mul3A_70 = arith.muli %add3A, %mul3A_69 : i32
    %add3A_71 = arith.constant 25088 : i32
    %add3A_72 = arith.addi %mul3A_70, %add3A_71 : i32
    %dma_wait3A = arith.constant 0 : i32
    %dma_wait3A_73 = arith.constant 0 : i32
    %dma_wait3A_74 = tpu.memref_slice %arg6[%rem3A_68, %dma_wait3A, %dma_wait3A_73] : memref<2x512x64xf32, #tpu.memory_space<vmem>> -> memref<1x512x64xf32, #tpu.memory_space<vmem>>
    %dma_wait3A_75 = tpu.memref_squeeze %dma_wait3A_74 : memref<1x512x64xf32, #tpu.memory_space<vmem>> -> memref<512x64xf32, #tpu.memory_space<vmem>>
    %dma_wait3A_76 = arith.constant 0 : i32
    %dma_wait3A_77 = tpu.memref_slice %arg4[%add3A_72, %dma_wait3A_76] : memref<819200x64xf32, #tpu.memory_space<hbm>> -> memref<512x64xf32, #tpu.memory_space<hbm>>
    %dma_wait3A_78 = arith.constant 0 : i32
    %dma_wait3A_79 = tpu.memref_slice %arg4[%add3A_72, %dma_wait3A_78] : memref<819200x64xf32, #tpu.memory_space<hbm>> -> memref<512x64xf32, #tpu.memory_space<hbm>>
    %dma_wait3A_80 = arith.constant 0 : i32
    %dma_wait3A_81 = arith.constant 0 : i32
    %dma_wait3A_82 = tpu.memref_slice %arg6[%rem3A_68, %dma_wait3A_80, %dma_wait3A_81] : memref<2x512x64xf32, #tpu.memory_space<vmem>> -> memref<1x512x64xf32, #tpu.memory_space<vmem>>
    %dma_wait3A_83 = tpu.memref_squeeze %dma_wait3A_82 : memref<1x512x64xf32, #tpu.memory_space<vmem>> -> memref<512x64xf32, #tpu.memory_space<vmem>>
    tpu.wait_dma2 semaphore(%arg9 : memref<!tpu.dma_semaphore, #tpu.memory_space<semaphore_mem>>) src(%dma_wait3A_83 : memref<512x64xf32, #tpu.memory_space<vmem>>) dst(%dma_wait3A_79 : memref<512x64xf32, #tpu.memory_space<hbm>>)
    return
  }
}

module attributes {stable_mosaic.version = 14 : i64} {
  func.func @_combine_body(%arg0: memref<200x64xf32, #tpu.memory_space<vmem>>, %arg1: memref<200x64xf32, #tpu.memory_space<vmem>>, %arg2: memref<200x64xf32, #tpu.memory_space<vmem>>) attributes {dimension_semantics = [], scalar_prefetch = 0 : i64, scratch_operands = 0 : i64, tpu.core_type = #tpu.core_type<tc>} {
    %get3A = arith.constant 0 : index
    %get3A_0 = arith.constant 0 : index
    %get3A_1 = vector.load %arg0[%get3A, %get3A_0] : memref<200x64xf32, #tpu.memory_space<vmem>>, vector<200x64xf32>
    %get3A_2 = arith.constant 0 : index
    %get3A_3 = arith.constant 0 : index
    %get3A_4 = vector.load %arg1[%get3A_2, %get3A_3] : memref<200x64xf32, #tpu.memory_space<vmem>>, vector<200x64xf32>
    %add3A = arith.addf %get3A_1, %get3A_4 : vector<200x64xf32>
    %swap3A = arith.constant 0 : index
    %swap3A_5 = arith.constant 0 : index
    %swap3A_6 = vector.load %arg2[%swap3A, %swap3A_5] : memref<200x64xf32, #tpu.memory_space<vmem>>, vector<200x64xf32>
    tpu.vector_store %arg2[%swap3A, %swap3A_5], %add3A {strides = array<i32>} : memref<200x64xf32, #tpu.memory_space<vmem>>, vector<200x64xf32>,
    return
  }
}

</mosaic_0001>

<sc_bundles>
// kernel: kernel.4.cloned.1.call-start
scs
__scs_entry_jumppad:
0x0: {  	(pc) =	sbr.rel $0x88, $3  }
0x1: {  	(tag) =	ssettag $0x0;
	lr =	simm.s32 $0x1  }
0x2: {  	[smem:$0x3F9E] =	sst lr;
	_ =	strace $0xD0000000  }
0x3: {  	_ = 	snop  }
0x4: {  	_ = 	snop  }
0x5: {  	_ = 	snop  }
0x6: {  	_ = 	snop  }
0x7: {  	_ = 	snop  }
__scs_overlays_trampoline_lowered:
0x8: {  	[smem:$0x3FAD] =	sst s0  }
0x9: {  	[smem:$0x3FAE] =	sst s1  }
0xa: {  	[smem:$0x3FAF] =	sst s2  }
0xb: {  	[smem:$0x3FB0] =	sst s3  }
0xc: {  	[smem:$0x3FB1] =	sst s4  }
0xd: {  	[smem:$0x3FB2] =	sst s5  }
0xe: {  	[smem:$0x3FB3] =	sst s6  }
0xf: {  	[smem:$0x3FB4] =	sst s7  }
0x10: {  	[smem:$0x3FB5] =	sst s8  }
0x11: {  	[smem:$0x3FB6] =	sst s9;
	s0 =	simm.s32 @!p0 $0x0  }
0x12: {  	s1 =	sld [smem:$0x3F9C];
	s0 =	simm.s32 @p0 $0x1  }
0x13: {  	[smem:$0x3FB7] =	sst s0;
	s0 =	simm.s32 @!p1 $0x0  }
0x14: {  	s2 =	sld [smem:$0x3F9B];
	s0 =	simm.s32 @p1 $0x1  }
0x15: {  	[smem:$0x3FB8] =	sst s0;
	s0 =	simm.s32 @!p2 $0x0  }
0x16: {  	s3 =	sld [smem:$0x3FDB];
	s0 =	simm.s32 @p2 $0x1  }
0x17: {  	s4 =	simm.s32 $0x1BF5;
	[smem:$0x3FBA] =	sst s0  }
0x18: {  	s0 =	sld [smem:$0x3F9D];
	_ =	swait.ge [sflag:s4], $0x0  }
0x19: {  	s7 =	sld [smem:$0x3F9E]  }
0x1a: {  	s8 =	sadd.s32 $0xFFFFE003, lr  }
0x1b: {  	s9 =	sadd.s32 $0xFFFFFEF7, lr;
	s5 =	simm.s32 $0xFFFFFFFF;
	p2 =	slt.u32 s8, $0xFFFFF086  }
0x1c: {  	p1 =	slt.u32 s9, $0xF7A;
	s5 =	simm.s32 @!p2 $0x0  }
0x1d: {  	s5 =	simm.s32 @p1 $0x1;
	p0 =	seq.s32 s7, s2  }
0x1e: {  	s7 =	smul.u32 @!p0 $0xF7A, s2;
	p2 =	seq.s32 @!p0 s5, $0x0  }
0x1f: {  	s9 =	smul.u32 $0xF7A, s1;
	s8 =	simm.s32 @!p0 $0x1BF5;
	p2 =	por !p2, p0  }
0x20: {  	[sflag:s8] =	ssyncset.s32 @!p0 $0xFFFFF086;
	s6 =	sadd.s32 @!p0 s3, s7;
	s7 =	simm.s32 @!p0 $0x108  }
0x21: {  	s3 =	sadd.s32 s3, s9;
	s6 =	sadd.s32 @!p0 $0x88, s6;
	s7 =	simm.s32 @p2 $0x1082  }
0x22: {  	[simem:s7], [sflag:s8] =	dma.local @!p0 [hbm:s6], $0xF7A  }
0x23: {  	s9 =	sor.u32 $0xD0000000, s2;
	s6 =	simm.s32 $0x108;
	_ =	swait.ge @!p0 [sflag:s8], $0x0  }
0x24: {  	s3 =	sadd.s32 $0x88, s3;
	s6 =	simm.s32 @!p1 $0x1082;
	[sflag:s4] =	ssyncset.s32 $0xFFFFF086  }
0x25: {  	[simem:s6], [sflag:s4] =	dma.local [hbm:s3], $0xF7A  }
0x26: {  	[smem:$0x3F9E] =	sst s1;
	(tag) =	ssettag s2;
	_ =	strace s9  }
0x27: {  	s1 =	sld [smem:$0x3FAE]  }
0x28: {  	s2 =	sld [smem:$0x3FAF]  }
0x29: {  	s4 =	sld [smem:$0x3FB1]  }
0x2a: {  	p0 =	seq.s32 s5, $0x0;
	s5 =	sld [smem:$0x3FB2]  }
0x2b: {  	s6 =	sld [smem:$0x3FB3]  }
0x2c: {  	s7 =	sld [smem:$0x3FB4]  }
0x2d: {  	s3 =	simm.s32 $0x108;
	s8 =	sld [smem:$0x3FB5]  }
0x2e: {  	s3 =	simm.s32 @!p0 $0x1082;
	s9 =	sld [smem:$0x3FB6]  }
0x2f: {  	lr =	sadd.s32 s0, s3;
	s0 =	sld [smem:$0x3FAD]  }
0x30: {  	s3 =	sld [smem:$0x3FB0]  }
0x31: {  	[smem:$0x3FB9] =	sst s10  }
0x32: {  	s10 =	sld [smem:$0x3FB7];
	_ =	sdelay $0x3  }
0x33: {  	p0 =	seq.s32 s10, $0x1;
	s10 =	sld [smem:$0x3FB9];
	_ =	sdelay $0x3  }
0x34: {  	[smem:$0x3FB9] =	sst s10  }
0x35: {  	s10 =	sld [smem:$0x3FB8];
	_ =	sdelay $0x3  }
0x36: {  	p1 =	seq.s32 s10, $0x1;
	s10 =	sld [smem:$0x3FB9];
	_ =	sdelay $0x3  }
0x37: {  	[smem:$0x3FB9] =	sst s10  }
0x38: {  	s10 =	sld [smem:$0x3FBA]  }
0x39: {  	_ = 	snop;
	(pc) =	sbr.ind lr, $3  }
0x3a: {  	_ = 	snop  }
0x3b: {  	_ = 	snop  }
0x3c: {  	p2 =	seq.s32 s10, $0x1;
	s10 =	sld [smem:$0x3FB9]  }
0x3d: {  	_ =	shalt  }
0x3e: {  	_ =	shalt  }
0x3f: {  	_ =	shalt  }
0x40: {  	_ =	shalt  }
0x41: {  	_ =	shalt  }
0x42: {  	_ =	shalt  }
0x43: {  	_ =	shalt  }
0x44: {  	_ =	shalt  }
0x45: {  	_ =	shalt  }
0x46: {  	_ =	shalt  }
0x47: {  	_ =	shalt  }
0x48: {  	_ =	shalt  }
0x49: {  	_ =	shalt  }
0x4a: {  	_ =	shalt  }
0x4b: {  	_ =	shalt  }
0x4c: {  	_ =	shalt  }
0x4d: {  	_ =	shalt  }
0x4e: {  	_ =	shalt  }
0x4f: {  	_ =	shalt  }
0x50: {  	_ =	shalt  }
0x51: {  	_ =	shalt  }
0x52: {  	_ =	shalt  }
0x53: {  	_ =	shalt  }
0x54: {  	_ =	shalt  }
0x55: {  	_ =	shalt  }
0x56: {  	_ =	shalt  }
0x57: {  	_ =	shalt  }
0x58: {  	_ =	shalt  }
0x59: {  	_ =	shalt  }
0x5a: {  	_ =	shalt  }
0x5b: {  	_ =	shalt  }
0x5c: {  	_ =	shalt  }
0x5d: {  	_ =	shalt  }
0x5e: {  	_ =	shalt  }
0x5f: {  	_ =	shalt  }
0x60: {  	_ =	shalt  }
0x61: {  	_ =	shalt  }
0x62: {  	_ =	shalt  }
0x63: {  	_ =	shalt  }
0x64: {  	_ =	shalt  }
0x65: {  	_ =	shalt  }
0x66: {  	_ =	shalt  }
0x67: {  	_ =	shalt  }
0x68: {  	_ =	shalt  }
0x69: {  	_ =	shalt  }
0x6a: {  	_ =	shalt  }
0x6b: {  	_ =	shalt  }
0x6c: {  	_ =	shalt  }
0x6d: {  	_ =	shalt  }
0x6e: {  	_ =	shalt  }
0x6f: {  	_ =	shalt  }
0x70: {  	_ =	shalt  }
0x71: {  	_ =	shalt  }
0x72: {  	_ =	shalt  }
0x73: {  	_ =	shalt  }
0x74: {  	_ =	shalt  }
0x75: {  	_ =	shalt  }
0x76: {  	_ =	shalt  }
0x77: {  	_ =	shalt  }
0x78: {  	_ =	shalt  }
0x79: {  	_ =	shalt  }
0x7a: {  	_ =	shalt  }
0x7b: {  	_ =	shalt  }
0x7c: {  	_ =	shalt  }
0x7d: {  	_ =	shalt  }
0x7e: {  	_ =	shalt  }
0x7f: {  	_ =	shalt  }
0x80: {  	_ =	shalt  }
0x81: {  	_ =	shalt  }
0x82: {  	_ =	shalt  }
0x83: {  	_ =	shalt  }
0x84: {  	_ =	shalt  }
0x85: {  	_ =	shalt  }
0x86: {  	_ =	shalt  }
0x87: {  	_ =	shalt  }
.Lfunc_end0:
.L_simem_size_0:
called_computation.1_lowered:
.L_overlay_start_0:
0x88: {  	s2 =	sld [smem:$0x3FD9]  }
0x89: {  	s3 =	sld [smem:$0x3FFE];
	_ =	sdelay $0x1  }
0x8a: {  	s1 =	srdreg.scid  }
0x8b: {  	s0 =	sand.u32 $0x1, s1  }
0x8c: {  	s17 =	sshll.u32 s0, $0xA;
	s2 =	sadd.s32 s3, s2  }
0x8d: {  	s2 =	sadd.s32 s2, s17  }
0x8e: {  	[smem:$0x3FC5] =	sst s2  }
0x8f: {  	_ = 	snop  }
0x90: {  	s2 =	sld [smem:$0x3FD0];
	(tm) =	ssettm $0x1  }
0x91: {  	s18 =	sld [smem:$0x3FFB];
	_ =	sdelay $0x3  }
0x92: {  	_ =	strace s18  }
0x93: {  	s3 =	sld [smem:$0x3FFC];
	_ =	sdelay $0x3  }
0x94: {  	_ =	strace s3  }
0x95: {  	s3 =	sld [smem:$0x3FFD];
	_ =	sdelay $0x3  }
0x96: {  	_ =	strace s3  }
0x97: {  	_ =	strace $0x8FFFFFFF  }
0x98: {  	s19 =	sld [smem:$0x3FDB];
	_ =	sdelay $0x1  }
0x99: {  	s4 =	simm.s32 $_scs_section_size  }
0x9a: {  	s5 =	simm.s32 $_size__tile_overlayer_lowered;
	s6 =	simm.s32 $_tile_overlayer_lowered  }
0x9b: {  	s22 =	simm.s32 $0x1BFF;
	s21 =	sshll.u32 s6, $0x1;
	s3 =	sadd.s32 s4, s19  }
0x9c: {  	s7 =	simm.s32 $0x0;
	s20 =	sshll.u32 s5, $0x1;
	s5 =	sadd.s32 s21, s3  }
0x9d: {  	[timem:s7], [sflag:s22] =	dma.local [hbm:s5], s20  }
0x9e: {  	_ =	swait.ge [sflag:s22], s20  }
0x9f: {  	s4 =	ssub.s32 $0x0, s20;
	[sflag:s22] =	ssyncset.done $0x0  }
0xa0: {  	[sflag:s22] =	ssyncadd.s32 s4;
	_ =	sdelay $0x1  }
0xa1: {  	s23 =	simm.s32 $0x1B8B  }
0xa2: {  	_ =	swait.ge [sflag:s23], $0x1  }
0xa3: {  	[sflag:s23] =	ssyncset.done $0x0  }
0xa4: {  	s25 =	simm.s32 $0x1B8E;
	s24 =	sld [smem:$0x3FFE];
	[sflag:s23] =	ssyncadd.s32 $0xFFFFFFFF  }
0xa5: {  	s26 =	simm.s32 $execute0_lowered;
	[smem:$0x3FD2] =	sst s25  }
0xa6: {  	s5 =	sshll.u32 s26, $0x1;
	_ =	strace $0x80000046;
	[dreg:$0x1] =	wrdreg $0xFFFFFFFF  }
0xa7: {  	s28 =	simm.s32 $_size_execute0_lowered;
	s3 =	sadd.s32 s3, s5;
	[dreg:$0x0] =	wrdreg $0x0  }
0xa8: {  	s5 =	sshll.u32 s28, $0x1;
	[dreg:$0x2] =	wrdreg s3  }
0xa9: {  	[dreg:$0x3] =	wrdreg s5  }
0xaa: {  	[dreg:$0x4] =	wrdreg $0xC0  }
0xab: {  	_ =	task [dreg:s7], $0x5FFFF  }
0xac: {  	[dreg:$0x1] =	wrdreg $0xFFFFFFFF  }
0xad: {  	[dreg:$0x0] =	wrdreg $0x60  }
0xae: {  	[dreg:$0x2] =	wrdreg s24  }
0xaf: {  	[dreg:$0x3] =	wrdreg s2  }
0xb0: {  	[dreg:$0x4] =	wrdreg $0x164000  }
0xb1: {  	[dreg:$0x5] =	wrdreg $0x9  }
0xb2: {  	_ =	task.clear_ibuf [dreg:s7], $0x6FFFF;
	_ =	strace $0x90000046  }
0xb3: {  	s29 =	simm.s32 $0x9;
	_ =	strace $0x80000048  }
0xb4: {  	_ =	swait.ge [sflag:s29], $0x1  }
0xb5: {  	[sflag:s29] =	ssyncadd.s32 $0xFFFFFFFF  }
0xb6: {  	_ =	strace $0x90000048  }
0xb7: {  	_ =	sfence  }
0xb8: {  	s30 =	sld [smem:$0x0];
	_ =	sdelay $0x2  }
0xb9: {  	s31 =	sshll.u32 s1, $0xD;
	s1 =	sshrl.u32 s1, $0x2  }
0xba: {  	s3 =	sand.u32 $0x4000, s31;
	s1 =	sadd.s32 s1, s30  }
0xbb: {  	s0 =	sor.u32 s3, s0;
	s1 =	sshll.u32 s1, $0x11  }
0xbc: {  	s0 =	sor.u32 s1, s0  }
0xbd: {  	s0 =	sadd.s32 $0x8F2B, s0  }
0xbe: {  	[sflag:s0] =	ssyncadd.remote.s32 $0x1  }
0xbf: {  	_ =	sfence.sel $0xFFFF  }
0xc0: {  	[dreg:$0x0] =	wrdreg $0xFFFFFFFF;
	(pc) =	sbr.abs _section_cstart, $3  }
0xc1: {  	[dreg:$0x1] =	wrdreg $0xFFFFFFFF  }
0xc2: {  	_ =	task.clear_ibuf [dreg:s7], $0x2FFFF;
	_ =	strace $0x9FFFFFFF  }
0xc3: {  	(tm) =	ssettm $0x7FFFFFFF  }
tec
execute0_lowered:
.L_overlay_start_1:
0x0: {  	(tag) =	ssettag $0x1  }
0x1: {  	s4 =	rddreg [dreg:$0x0]  }
0x2: {  	s0 =	srdreg.scid;
	s1 =	rddreg [dreg:$0x1]  }
0x3: {  	s8 =	stileid.u32;
	s2 =	rddreg [dreg:$0x2]  }
0x4: {  	s3 =	simm.s32 $0x0;
	s10 =	simm.s32 $0x80;
	s11 =	simm.s32 $0x6400  }
0x5: {  	s12 =	simm.s32 $0x8400;
	s13 =	simm.s32 $0x100;
	s14 =	simm.s32 $0xA400  }
0x6: {  	s15 =	simm.s32 $0x180;
	s16 =	simm.s32 $0xC400;
	s17 =	simm.s32 $0x1  }
0x7: {  	s18 =	simm.s32 $0x2;
	s5 =	sand.u32 $0x1, s0;
	s0 =	rddreg [dreg:$0x3]  }
0x8: {  	s19 =	simm.s32 $0x0;
	s31 =	sshll.u32 s8, $0x1;
	[smem:$0x7FF] =	sst s3  }
.Ltmp0:
0x9: {  	p0 =	sne.s32 s8, $0x0;
	s6 =	sor.u32 s5, s31;
	(pc) =	sbr.rel .LBB2_1-.Ltmp0, $4  }
0xa: {  	s5 =	ssub.s32 $0x2, s5;
	_ =	strace $0x80000047;
	s7 =	smul.u32 $0xC80, s6  }
0xb: {  	s8 =	sshrl.u32 @!p0 s2, $0x3;
	s9 =	sshrl.u32 s5, $0x1;
	s6 =	smul.u32 $0x190000, s6  }
0xc: {  	s9 =	ssub.s32 s5, s9;
	s7 =	sadd.s32 s7, s4;
	s4 =	sadd.s32 $0x800, s4  }
0xd: {  	s5 =	sadd.s32 $0x1000, s7;
	s7 =	smax.u32 s9, $0x1;
	s9 =	simm.s32 $0x3  }
.LBB2_5:
0xe: {  	s19 =	sadd.s32 $0x1, s19  }
0xf: {  	p1 =	sne.s32 s19, s7  }
.Ltmp1:
0x10: {  	_ = 	snop;
	(pc) =	sbr.rel @!p1 .LBB2_6-.Ltmp1, $4  }
0x11: {  	_ = 	snop  }
0x12: {  	_ =	swait.ge [sflag:s18], $0x8000  }
0x13: {  	[sflag:s18] =	ssyncset.done $0x0  }
0x14: {  	[sflag:s18] =	ssyncadd.s32 $0xFFFF8000  }
.LBB2_1:
0x15: {  	s20 =	simm.s32 @!p0 $0x1C03  }
0x16: {  	[spmem:s8], [sflag:s20] =	dma.local @!p0 [hbm:s4], $0x640  }
0x17: {  	s20 =	simm.s32 @!p0 $0x3  }
0x18: {  	_ =	swait.ge @!p0 [sflag:s20], $0x640  }
0x19: {  	[sflag:s20] =	ssyncset.done @!p0 $0x0  }
0x1a: {  	[sflag:s20] =	ssyncadd.s32 @!p0 $0xFFFFF9C0  }
0x1b: {  	[tilespmem:s3], [sflag:$0x3] =	stream.linear.gather [hbm4b:s5+s3], $0x6400, $0x38;
	[tilespmem:$0x16720] =	vst v63  }
0x1c: {  	_ =	swait.ge [sflag:s9], $0x6400  }
0x1d: {  	[sflag:s9] =	ssyncset.done $0x0  }
0x1e: {  	[sflag:s9] =	ssyncadd.s32 $0xFFFF9C00  }
0x1f: {  	[bflag:$0x0] =	sbarrier.arrive $0xFFFF  }
0x20: {  	[tilespmem:s11], [sflag:$0x1] =	stream.indirect.gather [spmem:s2], $0x40, s3, s10, $0xb8;
	[tilespmem:$0x16720] =	vst v63  }
0x21: {  	_ = 	snop  }
0x22: {  	[tilespmem:s12], [sflag:$0x1] =	stream.indirect.gather [spmem:s2], $0x40, s10, s10, $0xb8;
	[tilespmem:$0x16720] =	vst v63  }
.Ltmp2:
0x23: {  	_ = 	snop;
	(pc) =	sbr.rel .LBB2_2-.Ltmp2, $4  }
0x24: {  	_ = 	snop  }
0x25: {  	[tilespmem:s14], [sflag:$0x1] =	stream.indirect.gather [spmem:s2], $0x40, s13, s10, $0xb8;
	[tilespmem:$0x16720] =	vst v63  }
0x26: {  	s20 =	simm.s32 $0x0  }
0x27: {  	[tilespmem:s16], [sflag:$0x1] =	stream.indirect.gather [spmem:s2], $0x40, s15, s10, $0xb8;
	[tilespmem:$0x16720] =	vst v63  }
.LBB2_4:
0x28: {  	_ =	swait.ge [sflag:s17], $0x2000  }
0x29: {  	[sflag:s17] =	ssyncset.done $0x0  }
0x2a: {  	[sflag:s17] =	ssyncadd.s32 $0xFFFFE000  }
0x2b: {  	_ =	swait.ge [sflag:s17], $0x2000  }
0x2c: {  	[sflag:s17] =	ssyncset.done $0x0  }
0x2d: {  	[sflag:s17] =	ssyncadd.s32 $0xFFFFE000  }
0x2e: {  	_ =	swait.ge [sflag:s17], $0x2000  }
0x2f: {  	[sflag:s17] =	ssyncset.done $0x0  }
0x30: {  	s20 =	sshll.u32 s20, $0xF;
	p1 =	slt.u32 s21, $0x32;
	[sflag:s17] =	ssyncadd.s32 $0xFFFFE000  }
.Ltmp3:
0x31: {  	s20 =	sadd.s32 s6, s20;
	_ =	swait.ge [sflag:s17], $0x2000;
	(pc) =	sbr.rel @!p1 .LBB2_5-.Ltmp3, $4  }
0x32: {  	s22 =	sshll.u32 s22, $0xF;
	s20 =	sshrl.u32 s20, $0x3;
	[sflag:s17] =	ssyncset.done $0x0  }
0x33: {  	s22 =	sor.u32 $0x6400, s22;
	s20 =	sadd.s32 s1, s20;
	[sflag:s17] =	ssyncadd.s32 $0xFFFFE000  }
0x34: {  	[hbm4b:s20+s3] =	stream.linear.scatter [tilespmem:s22], [sflag:$0x2], $0x8000, $0x38;
	[tilespmem:$0x16720] =	vst v63  }
0x35: {  	s20 =	smov.u32 s21  }
.LBB2_2:
0x36: {  	p1 =	seq.s32 s20, $0x0  }
0x37: {  	p2 =	seq.s32 @!p1 s20, $0x31  }
0x38: {  	p2 =	por p1, !p2  }
.Ltmp4:
0x39: {  	_ = 	snop;
	(pc) =	sbr.rel @!p2 .LBB2_4-.Ltmp4, $4  }
0x3a: {  	s21 =	simm.s32 @!p1 $0x2  }
0x3b: {  	_ =	swait.ge @!p1 [sflag:s21], $0x8000  }
0x3c: {  	[sflag:s21] =	ssyncset.done @!p1 $0x0  }
0x3d: {  	s22 =	sand.u32 $0x1, s20;
	[sflag:s21] =	ssyncadd.s32 @!p1 $0xFFFF8000;
	s21 =	simm.s32 @!p1 $0x32  }
0x3e: {  	s21 =	sadd.s32 @!p1 $0x1, s20  }
0x3f: {  	s21 =	simm.s32 @p1 $0x1  }
0x40: {  	s23 =	sshll.u32 s22, $0xF;
	s24 =	sshll.u32 s21, $0x9  }
0x41: {  	s25 =	sxor.u32 $0xE400, s23;
	s24 =	sand.u32 $0x3FFFFE00, s24  }
0x42: {  	[tilespmem:s25], [sflag:$0x1] =	stream.indirect.gather [spmem:s2], $0x40, s24, s10, $0xb8;
	[tilespmem:$0x16720] =	vst v63  }
0x43: {  	s29 =	ssub.s32 $0x10400, s23;
	s26 =	sor.u32 $0x80, s24  }
0x44: {  	[tilespmem:s29], [sflag:$0x1] =	stream.indirect.gather [spmem:s2], $0x40, s26, s10, $0xb8;
	[tilespmem:$0x16720] =	vst v63  }
.Ltmp5:
0x45: {  	_ = 	snop;
	(pc) =	sbr.rel .LBB2_4-.Ltmp5, $4  }
0x46: {  	s30 =	ssub.s32 $0x12400, s23;
	s31 =	sor.u32 $0x100, s24  }
0x47: {  	[tilespmem:s30], [sflag:$0x1] =	stream.indirect.gather [spmem:s2], $0x40, s31, s10, $0xb8;
	[tilespmem:$0x16720] =	vst v63  }
0x48: {  	s23 =	ssub.s32 $0x14400, s23;
	s24 =	sor.u32 $0x180, s24  }
0x49: {  	[tilespmem:s23], [sflag:$0x1] =	stream.indirect.gather [spmem:s2], $0x40, s24, s10, $0xb8;
	[tilespmem:$0x16720] =	vst v63  }
.LBB2_6:
0x4a: {  	_ =	sfence.sel $0x180000  }
0x4b: {  	[bflag:$0x0] =	sbarrier.arrive $0xFFFF  }
0x4c: {  	_ =	strace $0x90000047  }
0x4d: {  	s0 =	sadd.s32 @!p0 $0x100000, s0;
	[bflag:$0x2] =	sbarrier.arrive $0xFFFF  }
0x4e: {  	[sflag:s0] =	ssyncadd.tile.s32 @!p0 $0x1;
	_ =	shalt  }
.Lfunc_end2:
_tile_overlayer_lowered:
.L_overlay_start_2:
0x4f: {  	(tag) =	ssettag $0x2  }
0x50: {  	s0 =	rddreg [dreg:$0x0];
	s2 =	stileid.u32  }
0x51: {  	s1 =	rddreg [dreg:$0x1];
	p0 =	sne.s32 s2, $0x0  }
0x52: {  	s3 =	rddreg [dreg:$0x2];
	[bflag:$0x3] =	sbarrier.arrive $0xFFFF;
	s2 =	simm.s32 @!p0 $0x1C03  }
0x53: {  	[timem:s3], [sflag:s2] =	dma.local @!p0 [hbm:s0], s1  }
0x54: {  	s0 =	simm.s32 @!p0 $0x3  }
0x55: {  	_ =	swait.ge @!p0 [sflag:s0], s1  }
0x56: {  	s1 =	ssub.s32 @!p0 $0x0, s1;
	[sflag:s0] =	ssyncset.done @!p0 $0x0  }
0x57: {  	[sflag:s0] =	ssyncadd.s32 @!p0 s1  }
0x58: {  	[bflag:$0x3] =	sbarrier.arrive $0xFFFF  }
0x59: {  	_ =	shalt  }

// kernel: sparse-core-data-format-call.cloned.1.call-start
scs
called_computation_lowered:
.L_overlay_start_0:
0x0: {  	s2 =	sld [smem:$0x3FD9]  }
0x1: {  	s3 =	sld [smem:$0x3FFE];
	_ =	sdelay $0x1  }
0x2: {  	s1 =	srdreg.scid  }
0x3: {  	s0 =	sand.u32 $0x1, s1  }
0x4: {  	s18 =	sshll.u32 s0, $0xA;
	s2 =	sadd.s32 s3, s2  }
0x5: {  	s2 =	sadd.s32 s2, s18  }
0x6: {  	[smem:$0x3FC5] =	sst s2  }
0x7: {  	_ = 	snop  }
0x8: {  	s2 =	sld [smem:$0x3FD0];
	(tm) =	ssettm $0x1  }
0x9: {  	s19 =	sld [smem:$0x3FFB];
	_ =	sdelay $0x3  }
0xa: {  	_ =	strace s19  }
0xb: {  	s3 =	sld [smem:$0x3FFC];
	_ =	sdelay $0x3  }
0xc: {  	_ =	strace s3  }
0xd: {  	s3 =	sld [smem:$0x3FFD];
	_ =	sdelay $0x3  }
0xe: {  	_ =	strace s3  }
0xf: {  	_ =	strace $0x8FFFFFFF  }
0x10: {  	s20 =	sld [smem:$0x3FDB];
	_ =	sdelay $0x1  }
0x11: {  	s4 =	simm.s32 $_scs_section_size  }
0x12: {  	s5 =	simm.s32 $_size__tile_overlayer_lowered;
	s6 =	simm.s32 $_tile_overlayer_lowered  }
0x13: {  	s23 =	simm.s32 $0x1BFF;
	s22 =	sshll.u32 s6, $0x1;
	s3 =	sadd.s32 s4, s20  }
0x14: {  	s7 =	simm.s32 $0x0;
	s21 =	sshll.u32 s5, $0x1;
	s5 =	sadd.s32 s22, s3  }
0x15: {  	[timem:s7], [sflag:s23] =	dma.local [hbm:s5], s21  }
0x16: {  	_ =	swait.ge [sflag:s23], s21  }
0x17: {  	s4 =	ssub.s32 $0x0, s21;
	[sflag:s23] =	ssyncset.done $0x0  }
0x18: {  	[sflag:s23] =	ssyncadd.s32 s4;
	_ =	sdelay $0x1  }
0x19: {  	s24 =	simm.s32 $0x1B8B  }
0x1a: {  	_ =	swait.ge [sflag:s24], $0x1  }
0x1b: {  	[sflag:s24] =	ssyncset.done $0x0  }
0x1c: {  	s26 =	simm.s32 $0x1B8E;
	s25 =	sld [smem:$0x3FFE];
	[sflag:s24] =	ssyncadd.s32 $0xFFFFFFFF  }
0x1d: {  	s27 =	simm.s32 $execute0_lowered;
	[smem:$0x3FD2] =	sst s26  }
0x1e: {  	s5 =	sshll.u32 s27, $0x1;
	_ =	strace $0x80000049;
	[dreg:$0x1] =	wrdreg $0xFFFFFFFF  }
0x1f: {  	s28 =	simm.s32 $_size_execute0_lowered;
	s3 =	sadd.s32 s3, s5;
	[dreg:$0x0] =	wrdreg $0x0  }
0x20: {  	s5 =	sshll.u32 s28, $0x1;
	[dreg:$0x2] =	wrdreg s3  }
0x21: {  	[dreg:$0x3] =	wrdreg s5  }
0x22: {  	[dreg:$0x4] =	wrdreg $0xC0  }
0x23: {  	_ =	task [dreg:s7], $0x5FFFF  }
0x24: {  	[dreg:$0x1] =	wrdreg $0xFFFFFFFF  }
0x25: {  	[dreg:$0x0] =	wrdreg $0x60  }
0x26: {  	[dreg:$0x2] =	wrdreg s25  }
0x27: {  	[dreg:$0x3] =	wrdreg s2  }
0x28: {  	[dreg:$0x4] =	wrdreg $0x9  }
0x29: {  	_ =	task.clear_ibuf [dreg:s7], $0x5FFFF;
	_ =	strace $0x90000049  }
0x2a: {  	s29 =	simm.s32 $0x9;
	_ =	strace $0x8000004B  }
0x2b: {  	_ =	swait.ge [sflag:s29], $0x1  }
0x2c: {  	[sflag:s29] =	ssyncadd.s32 $0xFFFFFFFF  }
0x2d: {  	_ =	strace $0x9000004B  }
0x2e: {  	_ =	sfence  }
0x2f: {  	s30 =	sld [smem:$0x0];
	_ =	sdelay $0x2  }
0x30: {  	s31 =	sshll.u32 s1, $0xD;
	s1 =	sshrl.u32 s1, $0x2  }
0x31: {  	s3 =	sand.u32 $0x4000, s31;
	s1 =	sadd.s32 s1, s30  }
0x32: {  	s0 =	sor.u32 s3, s0;
	s1 =	sshll.u32 s1, $0x11  }
0x33: {  	s0 =	sor.u32 s1, s0  }
0x34: {  	s0 =	sadd.s32 $0x8F2B, s0  }
0x35: {  	[sflag:s0] =	ssyncadd.remote.s32 $0x1  }
0x36: {  	_ =	sfence.sel $0xFFFF  }
0x37: {  	[dreg:$0x0] =	wrdreg $0xFFFFFFFF;
	(pc) =	sbr.abs _section_cstart, $3  }
0x38: {  	[dreg:$0x1] =	wrdreg $0xFFFFFFFF  }
0x39: {  	_ =	task.clear_ibuf [dreg:s7], $0x2FFFF;
	_ =	strace $0x9FFFFFFF  }
0x3a: {  	(tm) =	ssettm $0x7FFFFFFF  }
0x3b: {  	_ =	shalt  }
tec
execute0_lowered:
.L_overlay_start_1:
0x0: {  	(tag) =	ssettag $0x1  }
0x1: {  	s0 =	srdreg.scid  }
0x2: {  	s1 =	sshll.u32 s0, $0x4  }
0x3: {  	s0 =	stileid.u32;
	s1 =	sand.u32 $0x10, s1  }
0x4: {  	s1 =	sor.u32 s0, s1  }
0x5: {  	s6 =	rddreg [dreg:$0x0];
	s4 =	simm.s32 $0x1;
	s2 =	sshll.u32 s1, $0x7  }
0x6: {  	s7 =	simm.s32 $0x2;
	s12 =	simm.s32 $0x0;
	s1 =	ssub.s32 $0x1000, s2  }
0x7: {  	s8 =	simm.s32 $0x8000;
	s13 =	simm.s32 $0x0;
	s3 =	sand.u32 $0xF80, s1  }
0x8: {  	s9 =	simm.s32 $0x0;
	s5 =	sshrl.u32 s1, $0xC;
	p0 =	sne.s32 s3, $0x0  }
.Ltmp0:
0x9: {  	s1 =	rddreg [dreg:$0x2];
	s4 =	simm.s32 @!p0 $0x0;
	(pc) =	sbr.rel .LBB1_1-.Ltmp0, $4  }
0xa: {  	s11 =	simm.s32 $0x0;
	s3 =	rddreg [dreg:$0x1];
	s5 =	sadd.s32 s4, s5  }
0xb: {  	_ =	strace $0x8000004A;
	s4 =	simm.s32 $0x1;
	s5 =	smul.u32 $0xC8, s5  }
0xc: {  	s6 =	sadd.s32 $0x800, s6;
	s10 =	smov.u32 s2;
	[sflag:s4] =	ssyncpa.u1 $0x0  }
0xd: {  	p0 =	por $0x0, $0x0;
	[sflag:s7] =	ssyncpa.u1 $0x0;
	s7 =	sor.u32 $0x1, s5  }
.LBB1_4:
0xe: {  	s16 =	sshll.u32 s13, $0x3;
	s17 =	sand.u32 $0x78, s13  }
0xf: {  	s30 =	sand.u32 $0x7E00, s13;
	s12 =	sshll.u32 s12, $0xF;
	s16 =	sand.u32 $0xC00, s16  }
0x10: {  	[tilespmem:s15+$0x810 ss:$0x81] =	vst.msk $0xffff, v2;
	s31 =	sand.u32 $0x7, s13;
	s16 =	sor.u32 s17, s16;
	s17 =	sadd.s32 s3, s30  }
0x11: {  	[tilespmem:s15+$0x1020 ss:$0x81] =	vst.msk $0xffff, v0;
	s13 =	sshll.u32 s31, $0x12;
	s12 =	sadd.s32 s12, s17;
	s16 =	sshrl.u32 s16, $0x3  }
0x12: {  	[tilespmem:s15+$0x0 ss:$0x81] =	vst.msk $0xffff, v1;
	s13 =	sor.u32 $0x400, s13;
	s12 =	sadd.s32 s16, s12  }
0x13: {  	[hbm4b:s12+s13] =	stream.strided.scatter [tilespmem:s14], [sflag:$0x2], $0x2000, s8, s13, $0x20;
	[tilespmem:$0x8080] =	vst v63  }
.LBB1_5:
0x14: {  	s14 =	sadd.s32 $0x1, s9  }
0x15: {  	s12 =	sadd.s32 $0x1000, s10;
	s16 =	smov.u32 s10;
	p2 =	sgt.s32 s14, $0xC7  }
0x16: {  	s16 =	smov.u32 @p2 s12  }
0x17: {  	s14 =	simm.s32 @p2 $0x0;
	p2 =	sgt.s32 s16, $0xFFF  }
0x18: {  	s16 =	smov.u32 @p2 s2;
	p2 =	sne.s32 s11, s7  }
.Ltmp1:
0x19: {  	p1 =	slt.u32 s11, $0x2;
	(pc) =	sbr.rel @!p2 .LBB1_6-.Ltmp1, $4  }
0x1a: {  	s15 =	simm.s32 @!p1 $0x2  }
0x1b: {  	s13 =	smov.u32 s10;
	p0 =	por !p0, !p0;
	_ =	swait.ge @!p1 [sflag:s15], $0x2000  }
0x1c: {  	s12 =	smov.u32 s9;
	[sflag:s15] =	ssyncset.done @!p1 $0x0;
	s9 =	smov.u32 s14  }
0x1d: {  	s11 =	sadd.s32 $0x1, s11;
	[sflag:s15] =	ssyncadd.s32 @!p1 $0xFFFFE000;
	s10 =	smov.u32 s16  }
.LBB1_1:
0x1e: {  	p1 =	sge.u32 s11, s5  }
0x1f: {  	s14 =	sand.u32 @!p1 $0x1FFFFFF, s9  }
0x20: {  	s15 =	smulhi.u32 @!p1 $0x147AE15, s14;
	_ =	sdelay $0x1  }
0x21: {  	s15 =	smul.u32 @!p1 $0xC8, s15  }
0x22: {  	s16 =	sxor.u32 @!p1 $0xFFFFFFFF, s11;
	s17 =	smul.u32 @!p1 $0xC80, s10  }
0x23: {  	s31 =	sadd.s32 $0xFFFFFFFF, s11;
	s16 =	sshll.u32 @!p1 s16, $0xD;
	s14 =	ssub.s32 @!p1 s14, s15  }
0x24: {  	s15 =	sand.u32 @!p1 $0x2000, s16;
	s16 =	sadd.s32 @!p1 s6, s17;
	s14 =	sshll.u32 @!p1 s14, $0x4  }
0x25: {  	s17 =	simm.s32 @!p1 $0x6400;
	s14 =	sadd.s32 @!p1 s14, s16;
	s16 =	simm.s32 @!p1 $0x40  }
0x26: {  	[tilespmem:s15], [sflag:$0x1] =	stream.strided.gather @!p1 [hbm4b:s14+s16], $0x2000, s17, s16, $0x38;
	[tilespmem:$0x8080] =	vst v63  }
0x27: {  	p1 =	sge.u32 s31, s5  }
.Ltmp2:
0x28: {  	_ = 	snop;
	(pc) =	sbr.rel @p1 .LBB1_5-.Ltmp2, $1  }
0x29: {  	_ =	sdelay $0x3  }
0x2a: {  	s14 =	simm.s32 $0x1  }
0x2b: {  	_ =	swait.ge [sflag:s4], $0x2000;
	s14 =	simm.s32 @!p0 $0x0  }
0x2c: {  	[sflag:s4] =	ssyncset.done $0x0;
	s15 =	sshll.u32 s14, $0xD  }
0x2d: {  	[sflag:s4] =	ssyncadd.s32 $0xFFFFE000;
	s18 =	sor.u32 $0x20, s15  }
0x2e: {  	s14 =	smul.u32 $0x8100, s14;
	v3 =	vld [tilespmem:s18+$0x10]  }
0x2f: {  	s30 =	sand.u32 $0x1, s11;
	v2 =	vld [tilespmem:s18+$0xFFFFFFF0]  }
0x30: {  	s15 =	smul.u32 $0x8100, s30;
	s14 =	sshrl.u32 s14, $0x2;
	v0 =	vld [tilespmem:s18+$0x0]  }
0x31: {  	v1 =	vld [tilespmem:s18+$0xFFFFFFE0];
	s16 =	sor.u32 $0x4000, s14  }
0x32: {  	s31 =	sshrl.u32 s15, $0x2;
	s15 =	sadd.s32 $0x0, s16  }
0x33: {  	s17 =	simm.s32 $0x4;
	s18 =	sadd.s32 $0x40, s18;
	s14 =	sor.u32 $0x4000, s31;
	[tilespmem:s15+$0x1830 ss:$0x81] =	vst.msk $0xffff, v3  }
.LBB1_3:
0x34: {  	v3 =	vld [tilespmem:s18+$0x10];
	p1 =	sne.s32 s17, $0x1FC;
	[tilespmem:s15+$0x810 ss:$0x81] =	vst.msk $0xffff, v2;
	s19 =	smov.u32 s17;
	s17 =	sadd.s32 $0x4, s17  }
.Ltmp3:
0x35: {  	v2 =	vld [tilespmem:s18+$0xFFFFFFF0];
	[tilespmem:s15+$0x1020 ss:$0x81] =	vst.msk $0xffff, v0;
	(pc) =	sbr.rel @p1 .LBB1_3-.Ltmp3, $4  }
0x36: {  	v0 =	vld [tilespmem:s18+$0x0];
	[tilespmem:s15+$0x0 ss:$0x81] =	vst.msk $0xffff, v1  }
0x37: {  	s15 =	sshra.s32 s19, $0x2;
	v1 =	vld [tilespmem:s18+$0xFFFFFFE0]  }
0x38: {  	s15 =	sadd.s32 s15, s16  }
0x39: {  	s18 =	sadd.s32 $0x40, s18;
	[tilespmem:s15+$0x1830 ss:$0x81] =	vst.msk $0xffff, v3  }
.Ltmp4:
0x3a: {  	_ = 	snop;
	(pc) =	sbr.rel .LBB1_4-.Ltmp4, $1  }
0x3b: {  	_ =	sdelay $0x3  }
.LBB1_6:
0x3c: {  	_ =	sfence.sel $0x180000  }
0x3d: {  	s2 =	simm.s32 $0x1;
	[bflag:$0x0] =	sbarrier.arrive $0xFFFF  }
0x3e: {  	s31 =	simm.s32 $0x2;
	[sflag:s2] =	ssyncpa.u1 $0x1  }
0x3f: {  	[sflag:s31] =	ssyncpa.u1 $0x1  }
0x40: {  	p0 =	sne.s32 s0, $0x0;
	_ =	strace $0x9000004A  }
0x41: {  	s0 =	sadd.s32 @!p0 $0x100000, s1;
	[bflag:$0x2] =	sbarrier.arrive $0xFFFF  }
0x42: {  	[sflag:s0] =	ssyncadd.tile.s32 @!p0 $0x1;
	_ =	shalt  }
.Lfunc_end1:
_tile_overlayer_lowered:
.L_overlay_start_2:
0x43: {  	(tag) =	ssettag $0x2  }
0x44: {  	s0 =	rddreg [dreg:$0x0];
	s2 =	stileid.u32  }
0x45: {  	s1 =	rddreg [dreg:$0x1];
	p0 =	sne.s32 s2, $0x0  }
0x46: {  	s3 =	rddreg [dreg:$0x2];
	[bflag:$0x3] =	sbarrier.arrive $0xFFFF;
	s2 =	simm.s32 @!p0 $0x1C01  }
0x47: {  	[timem:s3], [sflag:s2] =	dma.local @!p0 [hbm:s0], s1  }
0x48: {  	s0 =	simm.s32 @!p0 $0x1  }
0x49: {  	_ =	swait.ge @!p0 [sflag:s0], s1  }
0x4a: {  	s1 =	ssub.s32 @!p0 $0x0, s1;
	[sflag:s0] =	ssyncset.done @!p0 $0x0  }
0x4b: {  	[sflag:s0] =	ssyncadd.s32 @!p0 s1  }
0x4c: {  	[bflag:$0x3] =	sbarrier.arrive $0xFFFF  }
0x4d: {  	_ =	shalt  }

</sc_bundles>
